<compile_context>
chip_gen: v7x
topology: tpu7x:2x2x1
jax: 0.10.2.dev20260603
libtpu: 0.0.44.dev20260713+nightly
codegen_flags: <defaults>
</compile_context>

<pallas_src>
import functools

import jax
import jax.numpy as jnp
import numpy as np
from jax.experimental import pallas as pl
from jax.experimental.pallas import tpu as pltpu
from jax.experimental.pallas import tpu_sc as plsc

_E = 8
_D = 1024
_F = 2048
_T = 128
_GROUP = 128
TOPK_ = 2
_FB = 1024

_P_ACT = (np.arange(_FB)[:, None]
          == (((np.arange(_FB)[None, :] % (_FB // 4)) // 2) * 8
              + 2 * (np.arange(_FB)[None, :] // (_FB // 4))
              + np.arange(_FB)[None, :] % 2)).astype(jnp.bfloat16)


def _route_kernel(ids0_hbm, ids1_hbm, tw0_hbm, tw1_hbm, out_hbm,
                  i0_v, i1_v, w0_v, w1_v, out_v):
  wid = jax.lax.axis_index("s") * 2 + jax.lax.axis_index("c")
  e_id = wid >> 2
  tbase = (wid & 3) * 32
  pltpu.sync_copy(ids0_hbm, i0_v)
  pltpu.sync_copy(ids1_hbm, i1_v)
  pltpu.sync_copy(tw0_hbm, w0_v)
  pltpu.sync_copy(tw1_hbm, w1_v)
  for v in range(2):
    sl = pl.ds(tbase + v * 16, 16)
    r = (jnp.where(i0_v[sl] == e_id, w0_v[sl], 0.0)
         + jnp.where(i1_v[sl] == e_id, w1_v[sl], 0.0))
    out_v[pl.ds(v * 16, 16)] = r
  pltpu.sync_copy(out_v, out_hbm.at[pl.ds(wid * 32, 32)])


def _moe_kernel(wemat_ref, x_ref, p_ref, wg_ref, sg_ref,
                wu_ref, su_ref, w2_ref, s2_ref, out_ref):
  e = pl.program_id(0)
  j = pl.program_id(1)

  shifts = (jnp.arange(8, dtype=jnp.int32) * 4)[None, :, None]

  def srep_rows(s, k8, groups):
    n = s.shape[-1]
    srep = jnp.broadcast_to(s[:, None, :], (groups, _GROUP // 8, n))
    return srep.reshape(k8, n)

  def dequant(q, s, k8, groups):
    n = q.shape[-1]
    nib = ((q[:, None, :] >> shifts) & 0xF).astype(jnp.float32)
    w = (nib - 8.0) * srep_rows(s, k8, groups)[:, None, :]
    return w.reshape(k8 * 8, n).astype(jnp.bfloat16)

  def dequant_planes(q, s, k8, groups):
    n = q.shape[-1]
    sbits = ((jax.lax.bitcast_convert_type(s, jnp.int32) + 0x8000) >> 16)
    sword = srep_rows((sbits << 16) | sbits, k8, groups)
    spk = pltpu.bitcast(sword, jnp.bfloat16)
    planes = []
    for j in range(4):
      lo = (q >> (8 * j)) & 0xF
      if j < 2:
        hi = (q << (12 - 8 * j)) & 0xF0000
      else:
        hi = (q >> (8 * j - 12)) & 0xF0000
      w = lo | hi | 0x43004300
      wb = pltpu.bitcast(w, jnp.bfloat16)
      planes.append((wb - jnp.bfloat16(136.0)) * spk)
    return jnp.concatenate(planes, axis=0)

  x = x_ref[...]
  wg = dequant_planes(wg_ref[0], sg_ref[0], _D // 8, _D // _GROUP)
  hg = jnp.dot(x, wg, preferred_element_type=jnp.float32)
  wu = dequant_planes(wu_ref[0], su_ref[0], _D // 8, _D // _GROUP)
  hu = jnp.dot(x, wu, preferred_element_type=jnp.float32)

  lane_e = jax.lax.broadcasted_iota(jnp.int32, (_T, _E), 1)
  we = jnp.sum(jnp.where(lane_e == e, wemat_ref[...], 0.0), axis=1,
               keepdims=True)
  act = (hg * jax.nn.sigmoid(hg) * hu * we).astype(jnp.bfloat16)
  act = jnp.dot(act, p_ref[...], preferred_element_type=jnp.float32)
  act = act.astype(jnp.bfloat16)

  w2 = dequant_planes(w2_ref[0], s2_ref[0, 0], _FB // 8, _FB // _GROUP)
  o = jnp.dot(act, w2, preferred_element_type=jnp.float32)

  @pl.when((e == 0) & (j == 0))
  def _init():
    out_ref[...] = jnp.zeros_like(out_ref)

  out_ref[...] += o


@jax.jit
def kernel(x, topk_ids, topk_weights, w13_qweight, w13_scales, w2_qweight,
           w2_scales):
  jblocks = _F // _FB
  grid = (_E, jblocks)

  route = functools.partial(
      pl.kernel,
      mesh=plsc.VectorSubcoreMesh(core_axis_name="c", subcore_axis_name="s"),
      out_type=jax.ShapeDtypeStruct((_E * _T,), jnp.float32),
      scratch_types=[
          pltpu.VMEM((_T,), jnp.int32),
          pltpu.VMEM((_T,), jnp.int32),
          pltpu.VMEM((_T,), jnp.float32),
          pltpu.VMEM((_T,), jnp.float32),
          pltpu.VMEM((32,), jnp.float32),
      ],
  )(_route_kernel)
  ids32 = topk_ids.astype(jnp.int32)
  we_mat = route(
      ids32[:, 0], ids32[:, 1], topk_weights[:, 0], topk_weights[:, 1],
  ).reshape(_E, _T).T

  out = pl.pallas_call(
      _moe_kernel,
      grid=grid,
      in_specs=[
          pl.BlockSpec((_T, _E), lambda e, j: (0, 0)),
          pl.BlockSpec((_T, _D), lambda e, j: (0, 0)),
          pl.BlockSpec((_FB, _FB), lambda e, j: (0, 0)),
          pl.BlockSpec((1, _D // 8, _FB), lambda e, j: (e, 0, j)),
          pl.BlockSpec((1, _D // _GROUP, _FB), lambda e, j: (e, 0, j)),
          pl.BlockSpec((1, _D // 8, _FB), lambda e, j: (e, 0, j + jblocks)),
          pl.BlockSpec((1, _D // _GROUP, _FB), lambda e, j: (e, 0, j + jblocks)),
          pl.BlockSpec((1, _FB // 8, _D), lambda e, j: (e, j, 0)),
          pl.BlockSpec((1, 1, _FB // _GROUP, _D), lambda e, j: (e, j, 0, 0)),
      ],
      out_specs=pl.BlockSpec((_T, _D), lambda e, j: (0, 0)),
      out_shape=jax.ShapeDtypeStruct((_T, _D), jnp.float32),
      compiler_params=pltpu.CompilerParams(
          dimension_semantics=("arbitrary", "arbitrary"),
      ),
  )(
      we_mat,
      x.reshape(_T, _D // 8, 4, 2).transpose(0, 2, 1, 3).reshape(_T, _D)
      .astype(jnp.bfloat16),
      _P_ACT,
      w13_qweight,
      w13_scales,
      w13_qweight,
      w13_scales,
      w2_qweight,
      w2_scales.reshape(_E, jblocks, _FB // _GROUP, _D),
  )
  return out

# --- scband reference (transcript-rebuilt; emitter-appended) ---
"""Pipeline reference for scband-vllm-mixture-of-experts-op-wna16-71141838291321 (READ-ONLY COPY).

The authoritative reference and input builder live on the scoring server;
editing this copy changes nothing except your own understanding.
"""

import jax, jax.numpy as jnp
import numpy as np

E = 8
D = 1024
F = 2048
T = 128
TOPK = 2
GROUP = 128


def dequant_wna16(qweight, scales, group):
    # qweight: [E, K//8, N] int32, 8 x int4 packed per int32 (symmetric, zero_point=8)
    # scales:  [E, K//group, N] float32
    e, k8, n = qweight.shape
    shifts = (jnp.arange(8) * 4).astype(jnp.int32)
    nibbles = (qweight[:, :, None, :] >> shifts[None, None, :, None]) & 0xF  # [E, K//8, 8, N]
    vals = nibbles.reshape(e, k8 * 8, n).astype(jnp.float32) - 8.0  # [E, K, N]
    s = jnp.repeat(scales, group, axis=1)  # [E, K, N]
    return vals * s


def setup_inputs(seed: int = 0) -> dict:
    key = jax.random.key(seed)
    ks = jax.random.split(key, 8)
    x = jax.random.normal(ks[0], (T, D), dtype=jnp.float32)
    topk_ids = jax.random.randint(ks[1], (T, TOPK), 0, E, dtype=jnp.int64)
    topk_weights = jax.random.uniform(ks[2], (T, TOPK), dtype=jnp.float32)
    # packed int4 weights: w13 (gate+up fused, [D, 2F]) and w2 ([F, D]) per expert
    w13_qweight = jax.random.randint(ks[3], (E, D // 8, 2 * F), 0, 2**31 - 1, dtype=jnp.int32)
    w13_scales = jax.random.uniform(ks[4], (E, D // GROUP, 2 * F), dtype=jnp.float32) * 0.01 + 0.001
    w2_qweight = jax.random.randint(ks[5], (E, F // 8, D), 0, 2**31 - 1, dtype=jnp.int32)
    w2_scales = jax.random.uniform(ks[6], (E, F // GROUP, D), dtype=jnp.float32) * 0.01 + 0.001
    return {
        "x": x,
        "topk_ids": topk_ids,
        "topk_weights": topk_weights,
        "w13_qweight": w13_qweight,
        "w13_scales": w13_scales,
        "w2_qweight": w2_qweight,
        "w2_scales": w2_scales,
    }


def reference(x, topk_ids, topk_weights, w13_qweight, w13_scales, w2_qweight, w2_scales):
    # Dequantize all experts (mirrors get_dequant_weight loop over w13_list/w2_list)
    w13 = dequant_wna16(w13_qweight, w13_scales, GROUP)  # [E, D, 2F]
    w2 = dequant_wna16(w2_qweight, w2_scales, GROUP)     # [E, F, D]
    # mixture_of_experts with silu activation (gate/up split) and router weighting
    out = jnp.zeros((x.shape[0], D), dtype=x.dtype)
    for e in range(E):
        h = x @ w13[e]                       # [T, 2F]
        gate, up = h[:, :F], h[:, F:]
        act = jax.nn.silu(gate) * up         # [T, F]
        o = act @ w2[e]                      # [T, D]
        we = jnp.sum(jnp.where(topk_ids == e, topk_weights, 0.0), axis=1)  # [T]
        out = out + o * we[:, None]
    return out

if __name__ == "__main__":
    import jax
    _d = setup_inputs()
    print(jax.jit(kernel)(*tuple(_d.values())))

</pallas_src>

<mosaic_0001>
#map = affine_map<(d0, d1) -> (0)>
module attributes {stable_mosaic.version = 14 : i64} {
  func.func @_route_kernel(%arg0: i32, %arg1: i32, %arg2: memref<128xi32, #tpu.memory_space<hbm>>, %arg3: memref<128xi32, #tpu.memory_space<hbm>>, %arg4: memref<128xf32, #tpu.memory_space<hbm>>, %arg5: memref<128xf32, #tpu.memory_space<hbm>>, %arg6: memref<1024xf32, #tpu.memory_space<hbm>>, %arg7: memref<128xi32, #tpu.memory_space<vmem>>, %arg8: memref<128xi32, #tpu.memory_space<vmem>>, %arg9: memref<128xf32, #tpu.memory_space<vmem>>, %arg10: memref<128xf32, #tpu.memory_space<vmem>>, %arg11: memref<32xf32, #tpu.memory_space<vmem>>) attributes {dimension_semantics = [#tpu.dimension_semantics<core_parallel>, #tpu.dimension_semantics<subcore_parallel>], iteration_bounds = array<i64: 2, 16>, scalar_prefetch = 0 : i64, scratch_operands = 5 : i64, tpu.core_type = #tpu.core_type<sc_vector_subcore>, window_params = [{transform_indices = #map}, {transform_indices = #map}, {transform_indices = #map}, {transform_indices = #map}, {transform_indices = #map}]} {
    %mul3A = arith.constant 2 : i32
    %mul3A_0 = arith.muli %arg1, %mul3A : i32
    %add3A = arith.addi %mul3A_0, %arg0 : i32
    %shift_right_arithmetic3A = arith.constant 2 : i32
    %shift_right_arithmetic3A_1 = arith.shrsi %add3A, %shift_right_arithmetic3A : i32
    %and3A = arith.constant 3 : i32
    %and3A_2 = arith.andi %add3A, %and3A : i32
    %mul3A_3 = arith.constant 32 : i32
    %mul3A_4 = arith.muli %and3A_2, %mul3A_3 : i32
    "tpu.region"() ({
      %run_scoped3A = tpu.sem_alloc : memref<!tpu.dma_semaphore, #tpu.memory_space<semaphore_mem>>
      tpu.enqueue_dma source(%arg2 : memref<128xi32, #tpu.memory_space<hbm>>) target(%arg7 : memref<128xi32, #tpu.memory_space<vmem>>) target_semaphore(%run_scoped3A : memref<!tpu.dma_semaphore, #tpu.memory_space<semaphore_mem>>)
      tpu.wait_dma2 semaphore(%run_scoped3A : memref<!tpu.dma_semaphore, #tpu.memory_space<semaphore_mem>>) src(%arg2 : memref<128xi32, #tpu.memory_space<hbm>>) dst(%arg7 : memref<128xi32, #tpu.memory_space<vmem>>)
      tpu.yield
    }) : () -> ()
    "tpu.region"() ({
      %run_scoped3A = tpu.sem_alloc : memref<!tpu.dma_semaphore, #tpu.memory_space<semaphore_mem>>
      tpu.enqueue_dma source(%arg3 : memref<128xi32, #tpu.memory_space<hbm>>) target(%arg8 : memref<128xi32, #tpu.memory_space<vmem>>) target_semaphore(%run_scoped3A : memref<!tpu.dma_semaphore, #tpu.memory_space<semaphore_mem>>)
      tpu.wait_dma2 semaphore(%run_scoped3A : memref<!tpu.dma_semaphore, #tpu.memory_space<semaphore_mem>>) src(%arg3 : memref<128xi32, #tpu.memory_space<hbm>>) dst(%arg8 : memref<128xi32, #tpu.memory_space<vmem>>)
      tpu.yield
    }) : () -> ()
    "tpu.region"() ({
      %run_scoped3A = tpu.sem_alloc : memref<!tpu.dma_semaphore, #tpu.memory_space<semaphore_mem>>
      tpu.enqueue_dma source(%arg4 : memref<128xf32, #tpu.memory_space<hbm>>) target(%arg9 : memref<128xf32, #tpu.memory_space<vmem>>) target_semaphore(%run_scoped3A : memref<!tpu.dma_semaphore, #tpu.memory_space<semaphore_mem>>)
      tpu.wait_dma2 semaphore(%run_scoped3A : memref<!tpu.dma_semaphore, #tpu.memory_space<semaphore_mem>>) src(%arg4 : memref<128xf32, #tpu.memory_space<hbm>>) dst(%arg9 : memref<128xf32, #tpu.memory_space<vmem>>)
      tpu.yield
    }) : () -> ()
    "tpu.region"() ({
      %run_scoped3A = tpu.sem_alloc : memref<!tpu.dma_semaphore, #tpu.memory_space<semaphore_mem>>
      tpu.enqueue_dma source(%arg5 : memref<128xf32, #tpu.memory_space<hbm>>) target(%arg10 : memref<128xf32, #tpu.memory_space<vmem>>) target_semaphore(%run_scoped3A : memref<!tpu.dma_semaphore, #tpu.memory_space<semaphore_mem>>)
      tpu.wait_dma2 semaphore(%run_scoped3A : memref<!tpu.dma_semaphore, #tpu.memory_space<semaphore_mem>>) src(%arg5 : memref<128xf32, #tpu.memory_space<hbm>>) dst(%arg10 : memref<128xf32, #tpu.memory_space<vmem>>)
      tpu.yield
    }) : () -> ()
    %add3A_5 = arith.constant 0 : i32
    %add3A_6 = arith.addi %mul3A_4, %add3A_5 : i32
    %get3A = arith.index_cast %add3A_6 : i32 to index
    %get3A_7 = tpu.vector_load %arg7[%get3A] {strides = array<i32>} : memref<128xi32, #tpu.memory_space<vmem>>, vector<16xi32>,
    %get3A_8 = vector.shape_cast %get3A_7 : vector<16xi32> to vector<16xi32>
    %eq3A = vector.broadcast %shift_right_arithmetic3A_1 : i32 to vector<16xi32>
    %eq3A_9 = arith.cmpi eq, %get3A_8, %eq3A : vector<16xi32>
    %get3A_10 = arith.index_cast %add3A_6 : i32 to index
    %get3A_11 = tpu.vector_load %arg9[%get3A_10] {strides = array<i32>} : memref<128xf32, #tpu.memory_space<vmem>>, vector<16xf32>,
    %get3A_12 = vector.shape_cast %get3A_11 : vector<16xf32> to vector<16xf32>
    %jit3A = arith.constant 0.000000e+00 : f32
    %broadcast_in_dim3A = vector.broadcast %jit3A : f32 to vector<16xf32>
    %select_n3A = arith.select %eq3A_9, %get3A_12, %broadcast_in_dim3A : vector<16xi1>, vector<16xf32>
    %get3A_13 = arith.index_cast %add3A_6 : i32 to index
    %get3A_14 = tpu.vector_load %arg8[%get3A_13] {strides = array<i32>} : memref<128xi32, #tpu.memory_space<vmem>>, vector<16xi32>,
    %get3A_15 = vector.shape_cast %get3A_14 : vector<16xi32> to vector<16xi32>
    %eq3A_16 = vector.broadcast %shift_right_arithmetic3A_1 : i32 to vector<16xi32>
    %eq3A_17 = arith.cmpi eq, %get3A_15, %eq3A_16 : vector<16xi32>
    %get3A_18 = arith.index_cast %add3A_6 : i32 to index
    %get3A_19 = tpu.vector_load %arg10[%get3A_18] {strides = array<i32>} : memref<128xf32, #tpu.memory_space<vmem>>, vector<16xf32>,
    %get3A_20 = vector.shape_cast %get3A_19 : vector<16xf32> to vector<16xf32>
    %jit3A_21 = arith.constant 0.000000e+00 : f32
    %broadcast_in_dim3A_22 = vector.broadcast %jit3A_21 : f32 to vector<16xf32>
    %select_n3A_23 = arith.select %eq3A_17, %get3A_20, %broadcast_in_dim3A_22 : vector<16xi1>, vector<16xf32>
    %add3A_24 = arith.addf %select_n3A, %select_n3A_23 : vector<16xf32>
    %swap3A = arith.constant 0 : index
    %swap3A_25 = tpu.vector_load %arg11[%swap3A] {strides = array<i32>} : memref<32xf32, #tpu.memory_space<vmem>>, vector<16xf32>,
    %swap3A_26 = vector.shape_cast %swap3A_25 : vector<16xf32> to vector<16xf32>
    %swap3A_27 = vector.shape_cast %add3A_24 : vector<16xf32> to vector<16xf32>
    tpu.vector_store %arg11[%swap3A], %swap3A_27 {strides = array<i32>} : memref<32xf32, #tpu.memory_space<vmem>>, vector<16xf32>,
    %add3A_28 = arith.constant 16 : i32
    %add3A_29 = arith.addi %mul3A_4, %add3A_28 : i32
    %get3A_30 = arith.index_cast %add3A_29 : i32 to index
    %get3A_31 = tpu.vector_load %arg7[%get3A_30] {strides = array<i32>} : memref<128xi32, #tpu.memory_space<vmem>>, vector<16xi32>,
    %get3A_32 = vector.shape_cast %get3A_31 : vector<16xi32> to vector<16xi32>
    %eq3A_33 = vector.broadcast %shift_right_arithmetic3A_1 : i32 to vector<16xi32>
    %eq3A_34 = arith.cmpi eq, %get3A_32, %eq3A_33 : vector<16xi32>
    %get3A_35 = arith.index_cast %add3A_29 : i32 to index
    %get3A_36 = tpu.vector_load %arg9[%get3A_35] {strides = array<i32>} : memref<128xf32, #tpu.memory_space<vmem>>, vector<16xf32>,
    %get3A_37 = vector.shape_cast %get3A_36 : vector<16xf32> to vector<16xf32>
    %jit3A_38 = arith.constant 0.000000e+00 : f32
    %broadcast_in_dim3A_39 = vector.broadcast %jit3A_38 : f32 to vector<16xf32>
    %select_n3A_40 = arith.select %eq3A_34, %get3A_37, %broadcast_in_dim3A_39 : vector<16xi1>, vector<16xf32>
    %get3A_41 = arith.index_cast %add3A_29 : i32 to index
    %get3A_42 = tpu.vector_load %arg8[%get3A_41] {strides = array<i32>} : memref<128xi32, #tpu.memory_space<vmem>>, vector<16xi32>,
    %get3A_43 = vector.shape_cast %get3A_42 : vector<16xi32> to vector<16xi32>
    %eq3A_44 = vector.broadcast %shift_right_arithmetic3A_1 : i32 to vector<16xi32>
    %eq3A_45 = arith.cmpi eq, %get3A_43, %eq3A_44 : vector<16xi32>
    %get3A_46 = arith.index_cast %add3A_29 : i32 to index
    %get3A_47 = tpu.vector_load %arg10[%get3A_46] {strides = array<i32>} : memref<128xf32, #tpu.memory_space<vmem>>, vector<16xf32>,
    %get3A_48 = vector.shape_cast %get3A_47 : vector<16xf32> to vector<16xf32>
    %jit3A_49 = arith.constant 0.000000e+00 : f32
    %broadcast_in_dim3A_50 = vector.broadcast %jit3A_49 : f32 to vector<16xf32>
    %select_n3A_51 = arith.select %eq3A_45, %get3A_48, %broadcast_in_dim3A_50 : vector<16xi1>, vector<16xf32>
    %add3A_52 = arith.addf %select_n3A_40, %select_n3A_51 : vector<16xf32>
    %swap3A_53 = arith.constant 16 : index
    %swap3A_54 = tpu.vector_load %arg11[%swap3A_53] {strides = array<i32>} : memref<32xf32, #tpu.memory_space<vmem>>, vector<16xf32>,
    %swap3A_55 = vector.shape_cast %swap3A_54 : vector<16xf32> to vector<16xf32>
    %swap3A_56 = vector.shape_cast %add3A_52 : vector<16xf32> to vector<16xf32>
    tpu.vector_store %arg11[%swap3A_53], %swap3A_56 {strides = array<i32>} : memref<32xf32, #tpu.memory_space<vmem>>, vector<16xf32>,
    %mul3A_57 = arith.constant 32 : i32
    %mul3A_58 = arith.muli %add3A, %mul3A_57 : i32
    "tpu.region"() ({
      %run_scoped3A = tpu.sem_alloc : memref<!tpu.dma_semaphore, #tpu.memory_space<semaphore_mem>>
      %dma_start3A = tpu.memref_slice %arg6[%mul3A_58] : memref<1024xf32, #tpu.memory_space<hbm>> -> memref<32xf32, #tpu.memory_space<hbm>>
      %dma_start3A_59 = tpu.memref_slice %arg6[%mul3A_58] : memref<1024xf32, #tpu.memory_space<hbm>> -> memref<32xf32, #tpu.memory_space<hbm>>
      tpu.enqueue_dma source(%arg11 : memref<32xf32, #tpu.memory_space<vmem>>) target(%dma_start3A_59 : memref<32xf32, #tpu.memory_space<hbm>>) target_semaphore(%run_scoped3A : memref<!tpu.dma_semaphore, #tpu.memory_space<semaphore_mem>>)
      %dma_wait3A = tpu.memref_slice %arg6[%mul3A_58] : memref<1024xf32, #tpu.memory_space<hbm>> -> memref<32xf32, #tpu.memory_space<hbm>>
      %dma_wait3A_60 = tpu.memref_slice %arg6[%mul3A_58] : memref<1024xf32, #tpu.memory_space<hbm>> -> memref<32xf32, #tpu.memory_space<hbm>>
      tpu.wait_dma2 semaphore(%run_scoped3A : memref<!tpu.dma_semaphore, #tpu.memory_space<semaphore_mem>>) src(%arg11 : memref<32xf32, #tpu.memory_space<vmem>>) dst(%dma_wait3A_60 : memref<32xf32, #tpu.memory_space<hbm>>)
      tpu.yield
    }) : () -> ()
    return
  }
}

module attributes {stable_mosaic.version = 14 : i64} {
  func.func @_moe_kernel(%arg0: i32, %arg1: i32, %arg2: memref<128x8xf32, #tpu.memory_space<vmem>>, %arg3: memref<128x1024xbf16, #tpu.memory_space<vmem>>, %arg4: memref<1024x1024xbf16, #tpu.memory_space<vmem>>, %arg5: memref<1x128x1024xi32, #tpu.memory_space<vmem>>, %arg6: memref<1x8x1024xf32, #tpu.memory_space<vmem>>, %arg7: memref<1x128x1024xi32, #tpu.memory_space<vmem>>, %arg8: memref<1x8x1024xf32, #tpu.memory_space<vmem>>, %arg9: memref<1x128x1024xi32, #tpu.memory_space<vmem>>, %arg10: memref<1x1x8x1024xf32, #tpu.memory_space<vmem>>, %arg11: memref<128x1024xf32, #tpu.memory_space<vmem>>) attributes {dimension_semantics = [#tpu.dimension_semantics<arbitrary>, #tpu.dimension_semantics<arbitrary>], iteration_bounds = array<i64: 8, 2>, scalar_prefetch = 0 : i64, scratch_operands = 0 : i64, tpu.core_type = #tpu.core_type<tc>, window_params = [{pipeline_mode = #tpu.pipeline_mode<synchronous>, transform_indices = @transform_0, window_bounds = array<i64: 128, 8>}, {pipeline_mode = #tpu.pipeline_mode<synchronous>, transform_indices = @transform_1, window_bounds = array<i64: 128, 1024>}, {pipeline_mode = #tpu.pipeline_mode<synchronous>, transform_indices = @transform_2, window_bounds = array<i64: 1024, 1024>}, {transform_indices = @transform_3, window_bounds = array<i64: 1, 128, 1024>}, {transform_indices = @transform_4, window_bounds = array<i64: 1, 8, 1024>}, {transform_indices = @transform_5, window_bounds = array<i64: 1, 128, 1024>}, {transform_indices = @transform_6, window_bounds = array<i64: 1, 8, 1024>}, {transform_indices = @transform_7, window_bounds = array<i64: 1, 128, 1024>}, {transform_indices = @transform_8, window_bounds = array<i64: 1, 1, 8, 1024>}, {pipeline_mode = #tpu.pipeline_mode<synchronous>, transform_indices = @transform_9, window_bounds = array<i64: 128, 1024>}]} {
    %get3A = arith.constant 0 : index
    %get3A_0 = arith.constant 0 : index
    %get3A_1 = vector.load %arg3[%get3A, %get3A_0] : memref<128x1024xbf16, #tpu.memory_space<vmem>>, vector<128x1024xbf16>
    %get3A_2 = arith.constant 0 : index
    %get3A_3 = arith.constant 0 : index
    %get3A_4 = arith.constant 0 : index
    %get3A_5 = vector.load %arg5[%get3A_2, %get3A_3, %get3A_4] : memref<1x128x1024xi32, #tpu.memory_space<vmem>>, vector<1x128x1024xi32>
    %get3A_6 = vector.shape_cast %get3A_5 : vector<1x128x1024xi32> to vector<128x1024xi32>
    %get3A_7 = arith.constant 0 : index
    %get3A_8 = arith.constant 0 : index
    %get3A_9 = arith.constant 0 : index
    %get3A_10 = vector.load %arg6[%get3A_7, %get3A_8, %get3A_9] : memref<1x8x1024xf32, #tpu.memory_space<vmem>>, vector<1x8x1024xf32>
    %get3A_11 = vector.shape_cast %get3A_10 : vector<1x8x1024xf32> to vector<8x1024xf32>
    %bitcast_convert_type3A = tpu.bitcast %get3A_11 : vector<8x1024xf32> -> vector<8x1024xi32>
    %add3A = arith.constant 32768 : i32
    %add3A_12 = vector.broadcast %add3A : i32 to vector<8x1024xi32>
    %add3A_13 = arith.addi %bitcast_convert_type3A, %add3A_12 : vector<8x1024xi32>
    %shift_right_arithmetic3A = arith.constant 16 : i32
    %shift_right_arithmetic3A_14 = vector.broadcast %shift_right_arithmetic3A : i32 to vector<8x1024xi32>
    %shift_right_arithmetic3A_15 = arith.shrsi %add3A_13, %shift_right_arithmetic3A_14 : vector<8x1024xi32>
    %shift_left3A = arith.constant 16 : i32
    %shift_left3A_16 = vector.broadcast %shift_left3A : i32 to vector<8x1024xi32>
    %shift_left3A_17 = arith.shli %shift_right_arithmetic3A_15, %shift_left3A_16 : vector<8x1024xi32>
    %or3A = arith.ori %shift_left3A_17, %shift_right_arithmetic3A_15 : vector<8x1024xi32>
    %broadcast_in_dim3A = vector.shape_cast %or3A : vector<8x1024xi32> to vector<8x1x1024xi32>
    %broadcast_in_dim3A_18 = vector.shape_cast %broadcast_in_dim3A : vector<8x1x1024xi32> to vector<8x1x1024xi32>
    %broadcast_in_dim3A_19 = vector.broadcast %broadcast_in_dim3A_18 : vector<8x1x1024xi32> to vector<8x16x1024xi32>
    %reshape3A = vector.shape_cast %broadcast_in_dim3A_19 : vector<8x16x1024xi32> to vector<128x1024xi32>
    %bitcast3A = tpu.bitcast %reshape3A : vector<128x1024xi32> -> vector<256x1024xbf16>
    %shift_right_arithmetic3A_20 = arith.constant 0 : i32
    %shift_right_arithmetic3A_21 = vector.broadcast %shift_right_arithmetic3A_20 : i32 to vector<128x1024xi32>
    %shift_right_arithmetic3A_22 = arith.shrsi %get3A_6, %shift_right_arithmetic3A_21 : vector<128x1024xi32>
    %and3A = arith.constant 15 : i32
    %and3A_23 = vector.broadcast %and3A : i32 to vector<128x1024xi32>
    %and3A_24 = arith.andi %shift_right_arithmetic3A_22, %and3A_23 : vector<128x1024xi32>
    %shift_left3A_25 = arith.constant 12 : i32
    %shift_left3A_26 = vector.broadcast %shift_left3A_25 : i32 to vector<128x1024xi32>
    %shift_left3A_27 = arith.shli %get3A_6, %shift_left3A_26 : vector<128x1024xi32>
    %and3A_28 = arith.constant 983040 : i32
    %and3A_29 = vector.broadcast %and3A_28 : i32 to vector<128x1024xi32>
    %and3A_30 = arith.andi %shift_left3A_27, %and3A_29 : vector<128x1024xi32>
    %or3A_31 = arith.ori %and3A_24, %and3A_30 : vector<128x1024xi32>
    %or3A_32 = arith.constant 1124090624 : i32
    %or3A_33 = vector.broadcast %or3A_32 : i32 to vector<128x1024xi32>
    %or3A_34 = arith.ori %or3A_31, %or3A_33 : vector<128x1024xi32>
    %bitcast3A_35 = tpu.bitcast %or3A_34 : vector<128x1024xi32> -> vector<256x1024xbf16>
    %sub3A = arith.constant 1.360000e+02 : bf16
    %sub3A_36 = vector.broadcast %sub3A : bf16 to vector<256x1024xbf16>
    %sub3A_37 = arith.subf %bitcast3A_35, %sub3A_36 : vector<256x1024xbf16>
    %mul3A = arith.mulf %sub3A_37, %bitcast3A : vector<256x1024xbf16>
    %shift_right_arithmetic3A_38 = arith.constant 8 : i32
    %shift_right_arithmetic3A_39 = vector.broadcast %shift_right_arithmetic3A_38 : i32 to vector<128x1024xi32>
    %shift_right_arithmetic3A_40 = arith.shrsi %get3A_6, %shift_right_arithmetic3A_39 : vector<128x1024xi32>
    %and3A_41 = arith.constant 15 : i32
    %and3A_42 = vector.broadcast %and3A_41 : i32 to vector<128x1024xi32>
    %and3A_43 = arith.andi %shift_right_arithmetic3A_40, %and3A_42 : vector<128x1024xi32>
    %shift_left3A_44 = arith.constant 4 : i32
    %shift_left3A_45 = vector.broadcast %shift_left3A_44 : i32 to vector<128x1024xi32>
    %shift_left3A_46 = arith.shli %get3A_6, %shift_left3A_45 : vector<128x1024xi32>
    %and3A_47 = arith.constant 983040 : i32
    %and3A_48 = vector.broadcast %and3A_47 : i32 to vector<128x1024xi32>
    %and3A_49 = arith.andi %shift_left3A_46, %and3A_48 : vector<128x1024xi32>
    %or3A_50 = arith.ori %and3A_43, %and3A_49 : vector<128x1024xi32>
    %or3A_51 = arith.constant 1124090624 : i32
    %or3A_52 = vector.broadcast %or3A_51 : i32 to vector<128x1024xi32>
    %or3A_53 = arith.ori %or3A_50, %or3A_52 : vector<128x1024xi32>
    %bitcast3A_54 = tpu.bitcast %or3A_53 : vector<128x1024xi32> -> vector<256x1024xbf16>
    %sub3A_55 = arith.constant 1.360000e+02 : bf16
    %sub3A_56 = vector.broadcast %sub3A_55 : bf16 to vector<256x1024xbf16>
    %sub3A_57 = arith.subf %bitcast3A_54, %sub3A_56 : vector<256x1024xbf16>
    %mul3A_58 = arith.mulf %sub3A_57, %bitcast3A : vector<256x1024xbf16>
    %shift_right_arithmetic3A_59 = arith.constant 16 : i32
    %shift_right_arithmetic3A_60 = vector.broadcast %shift_right_arithmetic3A_59 : i32 to vector<128x1024xi32>
    %shift_right_arithmetic3A_61 = arith.shrsi %get3A_6, %shift_right_arithmetic3A_60 : vector<128x1024xi32>
    %and3A_62 = arith.constant 15 : i32
    %and3A_63 = vector.broadcast %and3A_62 : i32 to vector<128x1024xi32>
    %and3A_64 = arith.andi %shift_right_arithmetic3A_61, %and3A_63 : vector<128x1024xi32>
    %shift_right_arithmetic3A_65 = arith.constant 4 : i32
    %shift_right_arithmetic3A_66 = vector.broadcast %shift_right_arithmetic3A_65 : i32 to vector<128x1024xi32>
    %shift_right_arithmetic3A_67 = arith.shrsi %get3A_6, %shift_right_arithmetic3A_66 : vector<128x1024xi32>
    %and3A_68 = arith.constant 983040 : i32
    %and3A_69 = vector.broadcast %and3A_68 : i32 to vector<128x1024xi32>
    %and3A_70 = arith.andi %shift_right_arithmetic3A_67, %and3A_69 : vector<128x1024xi32>
    %or3A_71 = arith.ori %and3A_64, %and3A_70 : vector<128x1024xi32>
    %or3A_72 = arith.constant 1124090624 : i32
    %or3A_73 = vector.broadcast %or3A_72 : i32 to vector<128x1024xi32>
    %or3A_74 = arith.ori %or3A_71, %or3A_73 : vector<128x1024xi32>
    %bitcast3A_75 = tpu.bitcast %or3A_74 : vector<128x1024xi32> -> vector<256x1024xbf16>
    %sub3A_76 = arith.constant 1.360000e+02 : bf16
    %sub3A_77 = vector.broadcast %sub3A_76 : bf16 to vector<256x1024xbf16>
    %sub3A_78 = arith.subf %bitcast3A_75, %sub3A_77 : vector<256x1024xbf16>
    %mul3A_79 = arith.mulf %sub3A_78, %bitcast3A : vector<256x1024xbf16>
    %shift_right_arithmetic3A_80 = arith.constant 24 : i32
    %shift_right_arithmetic3A_81 = vector.broadcast %shift_right_arithmetic3A_80 : i32 to vector<128x1024xi32>
    %shift_right_arithmetic3A_82 = arith.shrsi %get3A_6, %shift_right_arithmetic3A_81 : vector<128x1024xi32>
    %and3A_83 = arith.constant 15 : i32
    %and3A_84 = vector.broadcast %and3A_83 : i32 to vector<128x1024xi32>
    %and3A_85 = arith.andi %shift_right_arithmetic3A_82, %and3A_84 : vector<128x1024xi32>
    %shift_right_arithmetic3A_86 = arith.constant 12 : i32
    %shift_right_arithmetic3A_87 = vector.broadcast %shift_right_arithmetic3A_86 : i32 to vector<128x1024xi32>
    %shift_right_arithmetic3A_88 = arith.shrsi %get3A_6, %shift_right_arithmetic3A_87 : vector<128x1024xi32>
    %and3A_89 = arith.constant 983040 : i32
    %and3A_90 = vector.broadcast %and3A_89 : i32 to vector<128x1024xi32>
    %and3A_91 = arith.andi %shift_right_arithmetic3A_88, %and3A_90 : vector<128x1024xi32>
    %or3A_92 = arith.ori %and3A_85, %and3A_91 : vector<128x1024xi32>
    %or3A_93 = arith.constant 1124090624 : i32
    %or3A_94 = vector.broadcast %or3A_93 : i32 to vector<128x1024xi32>
    %or3A_95 = arith.ori %or3A_92, %or3A_94 : vector<128x1024xi32>
    %bitcast3A_96 = tpu.bitcast %or3A_95 : vector<128x1024xi32> -> vector<256x1024xbf16>
    %sub3A_97 = arith.constant 1.360000e+02 : bf16
    %sub3A_98 = vector.broadcast %sub3A_97 : bf16 to vector<256x1024xbf16>
    %sub3A_99 = arith.subf %bitcast3A_96, %sub3A_98 : vector<256x1024xbf16>
    %mul3A_100 = arith.mulf %sub3A_99, %bitcast3A : vector<256x1024xbf16>
    %concatenate3A = tpu.concatenate %mul3A, %mul3A_58, %mul3A_79, %mul3A_100 in 0 : vector<256x1024xbf16>, vector<256x1024xbf16>, vector<256x1024xbf16>, vector<256x1024xbf16> -> vector<1024x1024xbf16>
    %dot_general3A = arith.constant dense<0.000000e+00> : vector<128x1024xf32>
    %dot_general3A_101 = tpu.matmul %get3A_1, %concatenate3A, %dot_general3A {dimension_numbers = #tpu.dot_dimension_numbers<[1], [0], [0], [1], [0, 0, 1, 1], [], []>, transpose_lhs_hint = false} : vector<128x1024xbf16>, vector<1024x1024xbf16>, vector<128x1024xf32> -> vector<128x1024xf32>
    %get3A_102 = arith.constant 0 : index
    %get3A_103 = arith.constant 0 : index
    %get3A_104 = arith.constant 0 : index
    %get3A_105 = vector.load %arg7[%get3A_102, %get3A_103, %get3A_104] : memref<1x128x1024xi32, #tpu.memory_space<vmem>>, vector<1x128x1024xi32>
    %get3A_106 = vector.shape_cast %get3A_105 : vector<1x128x1024xi32> to vector<128x1024xi32>
    %get3A_107 = arith.constant 0 : index
    %get3A_108 = arith.constant 0 : index
    %get3A_109 = arith.constant 0 : index
    %get3A_110 = vector.load %arg8[%get3A_107, %get3A_108, %get3A_109] : memref<1x8x1024xf32, #tpu.memory_space<vmem>>, vector<1x8x1024xf32>
    %get3A_111 = vector.shape_cast %get3A_110 : vector<1x8x1024xf32> to vector<8x1024xf32>
    %bitcast_convert_type3A_112 = tpu.bitcast %get3A_111 : vector<8x1024xf32> -> vector<8x1024xi32>
    %add3A_113 = arith.constant 32768 : i32
    %add3A_114 = vector.broadcast %add3A_113 : i32 to vector<8x1024xi32>
    %add3A_115 = arith.addi %bitcast_convert_type3A_112, %add3A_114 : vector<8x1024xi32>
    %shift_right_arithmetic3A_116 = arith.constant 16 : i32
    %shift_right_arithmetic3A_117 = vector.broadcast %shift_right_arithmetic3A_116 : i32 to vector<8x1024xi32>
    %shift_right_arithmetic3A_118 = arith.shrsi %add3A_115, %shift_right_arithmetic3A_117 : vector<8x1024xi32>
    %shift_left3A_119 = arith.constant 16 : i32
    %shift_left3A_120 = vector.broadcast %shift_left3A_119 : i32 to vector<8x1024xi32>
    %shift_left3A_121 = arith.shli %shift_right_arithmetic3A_118, %shift_left3A_120 : vector<8x1024xi32>
    %or3A_122 = arith.ori %shift_left3A_121, %shift_right_arithmetic3A_118 : vector<8x1024xi32>
    %broadcast_in_dim3A_123 = vector.shape_cast %or3A_122 : vector<8x1024xi32> to vector<8x1x1024xi32>
    %broadcast_in_dim3A_124 = vector.shape_cast %broadcast_in_dim3A_123 : vector<8x1x1024xi32> to vector<8x1x1024xi32>
    %broadcast_in_dim3A_125 = vector.broadcast %broadcast_in_dim3A_124 : vector<8x1x1024xi32> to vector<8x16x1024xi32>
    %reshape3A_126 = vector.shape_cast %broadcast_in_dim3A_125 : vector<8x16x1024xi32> to vector<128x1024xi32>
    %bitcast3A_127 = tpu.bitcast %reshape3A_126 : vector<128x1024xi32> -> vector<256x1024xbf16>
    %shift_right_arithmetic3A_128 = arith.constant 0 : i32
    %shift_right_arithmetic3A_129 = vector.broadcast %shift_right_arithmetic3A_128 : i32 to vector<128x1024xi32>
    %shift_right_arithmetic3A_130 = arith.shrsi %get3A_106, %shift_right_arithmetic3A_129 : vector<128x1024xi32>
    %and3A_131 = arith.constant 15 : i32
    %and3A_132 = vector.broadcast %and3A_131 : i32 to vector<128x1024xi32>
    %and3A_133 = arith.andi %shift_right_arithmetic3A_130, %and3A_132 : vector<128x1024xi32>
    %shift_left3A_134 = arith.constant 12 : i32
    %shift_left3A_135 = vector.broadcast %shift_left3A_134 : i32 to vector<128x1024xi32>
    %shift_left3A_136 = arith.shli %get3A_106, %shift_left3A_135 : vector<128x1024xi32>
    %and3A_137 = arith.constant 983040 : i32
    %and3A_138 = vector.broadcast %and3A_137 : i32 to vector<128x1024xi32>
    %and3A_139 = arith.andi %shift_left3A_136, %and3A_138 : vector<128x1024xi32>
    %or3A_140 = arith.ori %and3A_133, %and3A_139 : vector<128x1024xi32>
    %or3A_141 = arith.constant 1124090624 : i32
    %or3A_142 = vector.broadcast %or3A_141 : i32 to vector<128x1024xi32>
    %or3A_143 = arith.ori %or3A_140, %or3A_142 : vector<128x1024xi32>
    %bitcast3A_144 = tpu.bitcast %or3A_143 : vector<128x1024xi32> -> vector<256x1024xbf16>
    %sub3A_145 = arith.constant 1.360000e+02 : bf16
    %sub3A_146 = vector.broadcast %sub3A_145 : bf16 to vector<256x1024xbf16>
    %sub3A_147 = arith.subf %bitcast3A_144, %sub3A_146 : vector<256x1024xbf16>
    %mul3A_148 = arith.mulf %sub3A_147, %bitcast3A_127 : vector<256x1024xbf16>
    %shift_right_arithmetic3A_149 = arith.constant 8 : i32
    %shift_right_arithmetic3A_150 = vector.broadcast %shift_right_arithmetic3A_149 : i32 to vector<128x1024xi32>
    %shift_right_arithmetic3A_151 = arith.shrsi %get3A_106, %shift_right_arithmetic3A_150 : vector<128x1024xi32>
    %and3A_152 = arith.constant 15 : i32
    %and3A_153 = vector.broadcast %and3A_152 : i32 to vector<128x1024xi32>
    %and3A_154 = arith.andi %shift_right_arithmetic3A_151, %and3A_153 : vector<128x1024xi32>
    %shift_left3A_155 = arith.constant 4 : i32
    %shift_left3A_156 = vector.broadcast %shift_left3A_155 : i32 to vector<128x1024xi32>
    %shift_left3A_157 = arith.shli %get3A_106, %shift_left3A_156 : vector<128x1024xi32>
    %and3A_158 = arith.constant 983040 : i32
    %and3A_159 = vector.broadcast %and3A_158 : i32 to vector<128x1024xi32>
    %and3A_160 = arith.andi %shift_left3A_157, %and3A_159 : vector<128x1024xi32>
    %or3A_161 = arith.ori %and3A_154, %and3A_160 : vector<128x1024xi32>
    %or3A_162 = arith.constant 1124090624 : i32
    %or3A_163 = vector.broadcast %or3A_162 : i32 to vector<128x1024xi32>
    %or3A_164 = arith.ori %or3A_161, %or3A_163 : vector<128x1024xi32>
    %bitcast3A_165 = tpu.bitcast %or3A_164 : vector<128x1024xi32> -> vector<256x1024xbf16>
    %sub3A_166 = arith.constant 1.360000e+02 : bf16
    %sub3A_167 = vector.broadcast %sub3A_166 : bf16 to vector<256x1024xbf16>
    %sub3A_168 = arith.subf %bitcast3A_165, %sub3A_167 : vector<256x1024xbf16>
    %mul3A_169 = arith.mulf %sub3A_168, %bitcast3A_127 : vector<256x1024xbf16>
    %shift_right_arithmetic3A_170 = arith.constant 16 : i32
    %shift_right_arithmetic3A_171 = vector.broadcast %shift_right_arithmetic3A_170 : i32 to vector<128x1024xi32>
    %shift_right_arithmetic3A_172 = arith.shrsi %get3A_106, %shift_right_arithmetic3A_171 : vector<128x1024xi32>
    %and3A_173 = arith.constant 15 : i32
    %and3A_174 = vector.broadcast %and3A_173 : i32 to vector<128x1024xi32>
    %and3A_175 = arith.andi %shift_right_arithmetic3A_172, %and3A_174 : vector<128x1024xi32>
    %shift_right_arithmetic3A_176 = arith.constant 4 : i32
    %shift_right_arithmetic3A_177 = vector.broadcast %shift_right_arithmetic3A_176 : i32 to vector<128x1024xi32>
    %shift_right_arithmetic3A_178 = arith.shrsi %get3A_106, %shift_right_arithmetic3A_177 : vector<128x1024xi32>
    %and3A_179 = arith.constant 983040 : i32
    %and3A_180 = vector.broadcast %and3A_179 : i32 to vector<128x1024xi32>
    %and3A_181 = arith.andi %shift_right_arithmetic3A_178, %and3A_180 : vector<128x1024xi32>
    %or3A_182 = arith.ori %and3A_175, %and3A_181 : vector<128x1024xi32>
    %or3A_183 = arith.constant 1124090624 : i32
    %or3A_184 = vector.broadcast %or3A_183 : i32 to vector<128x1024xi32>
    %or3A_185 = arith.ori %or3A_182, %or3A_184 : vector<128x1024xi32>
    %bitcast3A_186 = tpu.bitcast %or3A_185 : vector<128x1024xi32> -> vector<256x1024xbf16>
    %sub3A_187 = arith.constant 1.360000e+02 : bf16
    %sub3A_188 = vector.broadcast %sub3A_187 : bf16 to vector<256x1024xbf16>
    %sub3A_189 = arith.subf %bitcast3A_186, %sub3A_188 : vector<256x1024xbf16>
    %mul3A_190 = arith.mulf %sub3A_189, %bitcast3A_127 : vector<256x1024xbf16>
    %shift_right_arithmetic3A_191 = arith.constant 24 : i32
    %shift_right_arithmetic3A_192 = vector.broadcast %shift_right_arithmetic3A_191 : i32 to vector<128x1024xi32>
    %shift_right_arithmetic3A_193 = arith.shrsi %get3A_106, %shift_right_arithmetic3A_192 : vector<128x1024xi32>
    %and3A_194 = arith.constant 15 : i32
    %and3A_195 = vector.broadcast %and3A_194 : i32 to vector<128x1024xi32>
    %and3A_196 = arith.andi %shift_right_arithmetic3A_193, %and3A_195 : vector<128x1024xi32>
    %shift_right_arithmetic3A_197 = arith.constant 12 : i32
    %shift_right_arithmetic3A_198 = vector.broadcast %shift_right_arithmetic3A_197 : i32 to vector<128x1024xi32>
    %shift_right_arithmetic3A_199 = arith.shrsi %get3A_106, %shift_right_arithmetic3A_198 : vector<128x1024xi32>
    %and3A_200 = arith.constant 983040 : i32
    %and3A_201 = vector.broadcast %and3A_200 : i32 to vector<128x1024xi32>
    %and3A_202 = arith.andi %shift_right_arithmetic3A_199, %and3A_201 : vector<128x1024xi32>
    %or3A_203 = arith.ori %and3A_196, %and3A_202 : vector<128x1024xi32>
    %or3A_204 = arith.constant 1124090624 : i32
    %or3A_205 = vector.broadcast %or3A_204 : i32 to vector<128x1024xi32>
    %or3A_206 = arith.ori %or3A_203, %or3A_205 : vector<128x1024xi32>
    %bitcast3A_207 = tpu.bitcast %or3A_206 : vector<128x1024xi32> -> vector<256x1024xbf16>
    %sub3A_208 = arith.constant 1.360000e+02 : bf16
    %sub3A_209 = vector.broadcast %sub3A_208 : bf16 to vector<256x1024xbf16>
    %sub3A_210 = arith.subf %bitcast3A_207, %sub3A_209 : vector<256x1024xbf16>
    %mul3A_211 = arith.mulf %sub3A_210, %bitcast3A_127 : vector<256x1024xbf16>
    %concatenate3A_212 = tpu.concatenate %mul3A_148, %mul3A_169, %mul3A_190, %mul3A_211 in 0 : vector<256x1024xbf16>, vector<256x1024xbf16>, vector<256x1024xbf16>, vector<256x1024xbf16> -> vector<1024x1024xbf16>
    %dot_general3A_213 = arith.constant dense<0.000000e+00> : vector<128x1024xf32>
    %dot_general3A_214 = tpu.matmul %get3A_1, %concatenate3A_212, %dot_general3A_213 {dimension_numbers = #tpu.dot_dimension_numbers<[1], [0], [0], [1], [0, 0, 1, 1], [], []>, transpose_lhs_hint = false} : vector<128x1024xbf16>, vector<1024x1024xbf16>, vector<128x1024xf32> -> vector<128x1024xf32>
    %iota3A = tpu.iota {dimensions = array<i32: 1>} : vector<128x8xi32>
    %eq3A = vector.broadcast %arg0 : i32 to vector<128x8xi32>
    %eq3A_215 = arith.cmpi eq, %iota3A, %eq3A : vector<128x8xi32>
    %get3A_216 = arith.constant 0 : index
    %get3A_217 = arith.constant 0 : index
    %get3A_218 = vector.load %arg2[%get3A_216, %get3A_217] : memref<128x8xf32, #tpu.memory_space<vmem>>, vector<128x8xf32>
    %jit3A = arith.constant 0.000000e+00 : f32
    %broadcast_in_dim3A_219 = vector.broadcast %jit3A : f32 to vector<128x8xf32>
    %select_n3A = arith.select %eq3A_215, %get3A_218, %broadcast_in_dim3A_219 : vector<128x8xi1>, vector<128x8xf32>
    %reduce_sum3A = arith.constant dense<0.000000e+00> : vector<128xf32>
    %reduce_sum3A_220 = vector.multi_reduction <add>, %select_n3A, %reduce_sum3A [1] : vector<128x8xf32> to vector<128xf32>
    %broadcast_in_dim3A_221 = vector.shape_cast %reduce_sum3A_220 : vector<128xf32> to vector<128x1xf32>
    %logistic3A = arith.negf %dot_general3A_101 : vector<128x1024xf32>
    %logistic3A_222 = math.exp %logistic3A : vector<128x1024xf32>
    %logistic3A_223 = arith.constant 1.000000e+00 : f32
    %logistic3A_224 = vector.broadcast %logistic3A_223 : f32 to vector<128x1024xf32>
    %logistic3A_225 = arith.addf %logistic3A_224, %logistic3A_222 : vector<128x1024xf32>
    %logistic3A_226 = arith.divf %logistic3A_224, %logistic3A_225 : vector<128x1024xf32>
    %mul3A_227 = arith.mulf %dot_general3A_101, %logistic3A_226 : vector<128x1024xf32>
    %mul3A_228 = arith.mulf %mul3A_227, %dot_general3A_214 : vector<128x1024xf32>
    %mul3A_229 = vector.broadcast %broadcast_in_dim3A_221 : vector<128x1xf32> to vector<128x1024xf32>
    %mul3A_230 = arith.mulf %mul3A_228, %mul3A_229 : vector<128x1024xf32>
    %convert_element_type3A = arith.truncf %mul3A_230 : vector<128x1024xf32> to vector<128x1024xbf16>
    %get3A_231 = arith.constant 0 : index
    %get3A_232 = arith.constant 0 : index
    %get3A_233 = vector.load %arg4[%get3A_231, %get3A_232] : memref<1024x1024xbf16, #tpu.memory_space<vmem>>, vector<1024x1024xbf16>
    %dot_general3A_234 = arith.constant dense<0.000000e+00> : vector<128x1024xf32>
    %dot_general3A_235 = tpu.matmul %convert_element_type3A, %get3A_233, %dot_general3A_234 {dimension_numbers = #tpu.dot_dimension_numbers<[1], [0], [0], [1], [0, 0, 1, 1], [], []>, transpose_lhs_hint = false} : vector<128x1024xbf16>, vector<1024x1024xbf16>, vector<128x1024xf32> -> vector<128x1024xf32>
    %convert_element_type3A_236 = arith.truncf %dot_general3A_235 : vector<128x1024xf32> to vector<128x1024xbf16>
    %get3A_237 = arith.constant 0 : index
    %get3A_238 = arith.constant 0 : index
    %get3A_239 = arith.constant 0 : index
    %get3A_240 = vector.load %arg9[%get3A_237, %get3A_238, %get3A_239] : memref<1x128x1024xi32, #tpu.memory_space<vmem>>, vector<1x128x1024xi32>
    %get3A_241 = vector.shape_cast %get3A_240 : vector<1x128x1024xi32> to vector<128x1024xi32>
    %get3A_242 = arith.constant 0 : index
    %get3A_243 = arith.constant 0 : index
    %get3A_244 = arith.constant 0 : index
    %get3A_245 = arith.constant 0 : index
    %get3A_246 = vector.load %arg10[%get3A_242, %get3A_243, %get3A_244, %get3A_245] : memref<1x1x8x1024xf32, #tpu.memory_space<vmem>>, vector<1x1x8x1024xf32>
    %get3A_247 = vector.shape_cast %get3A_246 : vector<1x1x8x1024xf32> to vector<8x1024xf32>
    %bitcast_convert_type3A_248 = tpu.bitcast %get3A_247 : vector<8x1024xf32> -> vector<8x1024xi32>
    %add3A_249 = arith.constant 32768 : i32
    %add3A_250 = vector.broadcast %add3A_249 : i32 to vector<8x1024xi32>
    %add3A_251 = arith.addi %bitcast_convert_type3A_248, %add3A_250 : vector<8x1024xi32>
    %shift_right_arithmetic3A_252 = arith.constant 16 : i32
    %shift_right_arithmetic3A_253 = vector.broadcast %shift_right_arithmetic3A_252 : i32 to vector<8x1024xi32>
    %shift_right_arithmetic3A_254 = arith.shrsi %add3A_251, %shift_right_arithmetic3A_253 : vector<8x1024xi32>
    %shift_left3A_255 = arith.constant 16 : i32
    %shift_left3A_256 = vector.broadcast %shift_left3A_255 : i32 to vector<8x1024xi32>
    %shift_left3A_257 = arith.shli %shift_right_arithmetic3A_254, %shift_left3A_256 : vector<8x1024xi32>
    %or3A_258 = arith.ori %shift_left3A_257, %shift_right_arithmetic3A_254 : vector<8x1024xi32>
    %broadcast_in_dim3A_259 = vector.shape_cast %or3A_258 : vector<8x1024xi32> to vector<8x1x1024xi32>
    %broadcast_in_dim3A_260 = vector.shape_cast %broadcast_in_dim3A_259 : vector<8x1x1024xi32> to vector<8x1x1024xi32>
    %broadcast_in_dim3A_261 = vector.broadcast %broadcast_in_dim3A_260 : vector<8x1x1024xi32> to vector<8x16x1024xi32>
    %reshape3A_262 = vector.shape_cast %broadcast_in_dim3A_261 : vector<8x16x1024xi32> to vector<128x1024xi32>
    %bitcast3A_263 = tpu.bitcast %reshape3A_262 : vector<128x1024xi32> -> vector<256x1024xbf16>
    %shift_right_arithmetic3A_264 = arith.constant 0 : i32
    %shift_right_arithmetic3A_265 = vector.broadcast %shift_right_arithmetic3A_264 : i32 to vector<128x1024xi32>
    %shift_right_arithmetic3A_266 = arith.shrsi %get3A_241, %shift_right_arithmetic3A_265 : vector<128x1024xi32>
    %and3A_267 = arith.constant 15 : i32
    %and3A_268 = vector.broadcast %and3A_267 : i32 to vector<128x1024xi32>
    %and3A_269 = arith.andi %shift_right_arithmetic3A_266, %and3A_268 : vector<128x1024xi32>
    %shift_left3A_270 = arith.constant 12 : i32
    %shift_left3A_271 = vector.broadcast %shift_left3A_270 : i32 to vector<128x1024xi32>
    %shift_left3A_272 = arith.shli %get3A_241, %shift_left3A_271 : vector<128x1024xi32>
    %and3A_273 = arith.constant 983040 : i32
    %and3A_274 = vector.broadcast %and3A_273 : i32 to vector<128x1024xi32>
    %and3A_275 = arith.andi %shift_left3A_272, %and3A_274 : vector<128x1024xi32>
    %or3A_276 = arith.ori %and3A_269, %and3A_275 : vector<128x1024xi32>
    %or3A_277 = arith.constant 1124090624 : i32
    %or3A_278 = vector.broadcast %or3A_277 : i32 to vector<128x1024xi32>
    %or3A_279 = arith.ori %or3A_276, %or3A_278 : vector<128x1024xi32>
    %bitcast3A_280 = tpu.bitcast %or3A_279 : vector<128x1024xi32> -> vector<256x1024xbf16>
    %sub3A_281 = arith.constant 1.360000e+02 : bf16
    %sub3A_282 = vector.broadcast %sub3A_281 : bf16 to vector<256x1024xbf16>
    %sub3A_283 = arith.subf %bitcast3A_280, %sub3A_282 : vector<256x1024xbf16>
    %mul3A_284 = arith.mulf %sub3A_283, %bitcast3A_263 : vector<256x1024xbf16>
    %shift_right_arithmetic3A_285 = arith.constant 8 : i32
    %shift_right_arithmetic3A_286 = vector.broadcast %shift_right_arithmetic3A_285 : i32 to vector<128x1024xi32>
    %shift_right_arithmetic3A_287 = arith.shrsi %get3A_241, %shift_right_arithmetic3A_286 : vector<128x1024xi32>
    %and3A_288 = arith.constant 15 : i32
    %and3A_289 = vector.broadcast %and3A_288 : i32 to vector<128x1024xi32>
    %and3A_290 = arith.andi %shift_right_arithmetic3A_287, %and3A_289 : vector<128x1024xi32>
    %shift_left3A_291 = arith.constant 4 : i32
    %shift_left3A_292 = vector.broadcast %shift_left3A_291 : i32 to vector<128x1024xi32>
    %shift_left3A_293 = arith.shli %get3A_241, %shift_left3A_292 : vector<128x1024xi32>
    %and3A_294 = arith.constant 983040 : i32
    %and3A_295 = vector.broadcast %and3A_294 : i32 to vector<128x1024xi32>
    %and3A_296 = arith.andi %shift_left3A_293, %and3A_295 : vector<128x1024xi32>
    %or3A_297 = arith.ori %and3A_290, %and3A_296 : vector<128x1024xi32>
    %or3A_298 = arith.constant 1124090624 : i32
    %or3A_299 = vector.broadcast %or3A_298 : i32 to vector<128x1024xi32>
    %or3A_300 = arith.ori %or3A_297, %or3A_299 : vector<128x1024xi32>
    %bitcast3A_301 = tpu.bitcast %or3A_300 : vector<128x1024xi32> -> vector<256x1024xbf16>
    %sub3A_302 = arith.constant 1.360000e+02 : bf16
    %sub3A_303 = vector.broadcast %sub3A_302 : bf16 to vector<256x1024xbf16>
    %sub3A_304 = arith.subf %bitcast3A_301, %sub3A_303 : vector<256x1024xbf16>
    %mul3A_305 = arith.mulf %sub3A_304, %bitcast3A_263 : vector<256x1024xbf16>
    %shift_right_arithmetic3A_306 = arith.constant 16 : i32
    %shift_right_arithmetic3A_307 = vector.broadcast %shift_right_arithmetic3A_306 : i32 to vector<128x1024xi32>
    %shift_right_arithmetic3A_308 = arith.shrsi %get3A_241, %shift_right_arithmetic3A_307 : vector<128x1024xi32>
    %and3A_309 = arith.constant 15 : i32
    %and3A_310 = vector.broadcast %and3A_309 : i32 to vector<128x1024xi32>
    %and3A_311 = arith.andi %shift_right_arithmetic3A_308, %and3A_310 : vector<128x1024xi32>
    %shift_right_arithmetic3A_312 = arith.constant 4 : i32
    %shift_right_arithmetic3A_313 = vector.broadcast %shift_right_arithmetic3A_312 : i32 to vector<128x1024xi32>
    %shift_right_arithmetic3A_314 = arith.shrsi %get3A_241, %shift_right_arithmetic3A_313 : vector<128x1024xi32>
    %and3A_315 = arith.constant 983040 : i32
    %and3A_316 = vector.broadcast %and3A_315 : i32 to vector<128x1024xi32>
    %and3A_317 = arith.andi %shift_right_arithmetic3A_314, %and3A_316 : vector<128x1024xi32>
    %or3A_318 = arith.ori %and3A_311, %and3A_317 : vector<128x1024xi32>
    %or3A_319 = arith.constant 1124090624 : i32
    %or3A_320 = vector.broadcast %or3A_319 : i32 to vector<128x1024xi32>
    %or3A_321 = arith.ori %or3A_318, %or3A_320 : vector<128x1024xi32>
    %bitcast3A_322 = tpu.bitcast %or3A_321 : vector<128x1024xi32> -> vector<256x1024xbf16>
    %sub3A_323 = arith.constant 1.360000e+02 : bf16
    %sub3A_324 = vector.broadcast %sub3A_323 : bf16 to vector<256x1024xbf16>
    %sub3A_325 = arith.subf %bitcast3A_322, %sub3A_324 : vector<256x1024xbf16>
    %mul3A_326 = arith.mulf %sub3A_325, %bitcast3A_263 : vector<256x1024xbf16>
    %shift_right_arithmetic3A_327 = arith.constant 24 : i32
    %shift_right_arithmetic3A_328 = vector.broadcast %shift_right_arithmetic3A_327 : i32 to vector<128x1024xi32>
    %shift_right_arithmetic3A_329 = arith.shrsi %get3A_241, %shift_right_arithmetic3A_328 : vector<128x1024xi32>
    %and3A_330 = arith.constant 15 : i32
    %and3A_331 = vector.broadcast %and3A_330 : i32 to vector<128x1024xi32>
    %and3A_332 = arith.andi %shift_right_arithmetic3A_329, %and3A_331 : vector<128x1024xi32>
    %shift_right_arithmetic3A_333 = arith.constant 12 : i32
    %shift_right_arithmetic3A_334 = vector.broadcast %shift_right_arithmetic3A_333 : i32 to vector<128x1024xi32>
    %shift_right_arithmetic3A_335 = arith.shrsi %get3A_241, %shift_right_arithmetic3A_334 : vector<128x1024xi32>
    %and3A_336 = arith.constant 983040 : i32
    %and3A_337 = vector.broadcast %and3A_336 : i32 to vector<128x1024xi32>
    %and3A_338 = arith.andi %shift_right_arithmetic3A_335, %and3A_337 : vector<128x1024xi32>
    %or3A_339 = arith.ori %and3A_332, %and3A_338 : vector<128x1024xi32>
    %or3A_340 = arith.constant 1124090624 : i32
    %or3A_341 = vector.broadcast %or3A_340 : i32 to vector<128x1024xi32>
    %or3A_342 = arith.ori %or3A_339, %or3A_341 : vector<128x1024xi32>
    %bitcast3A_343 = tpu.bitcast %or3A_342 : vector<128x1024xi32> -> vector<256x1024xbf16>
    %sub3A_344 = arith.constant 1.360000e+02 : bf16
    %sub3A_345 = vector.broadcast %sub3A_344 : bf16 to vector<256x1024xbf16>
    %sub3A_346 = arith.subf %bitcast3A_343, %sub3A_345 : vector<256x1024xbf16>
    %mul3A_347 = arith.mulf %sub3A_346, %bitcast3A_263 : vector<256x1024xbf16>
    %concatenate3A_348 = tpu.concatenate %mul3A_284, %mul3A_305, %mul3A_326, %mul3A_347 in 0 : vector<256x1024xbf16>, vector<256x1024xbf16>, vector<256x1024xbf16>, vector<256x1024xbf16> -> vector<1024x1024xbf16>
    %dot_general3A_349 = arith.constant dense<0.000000e+00> : vector<128x1024xf32>
    %dot_general3A_350 = tpu.matmul %convert_element_type3A_236, %concatenate3A_348, %dot_general3A_349 {dimension_numbers = #tpu.dot_dimension_numbers<[1], [0], [0], [1], [0, 0, 1, 1], [], []>, transpose_lhs_hint = false} : vector<128x1024xbf16>, vector<1024x1024xbf16>, vector<128x1024xf32> -> vector<128x1024xf32>
    %eq3A_351 = arith.constant 0 : i32
    %eq3A_352 = arith.cmpi eq, %arg0, %eq3A_351 : i32
    %eq3A_353 = arith.constant 0 : i32
    %eq3A_354 = arith.cmpi eq, %arg1, %eq3A_353 : i32
    %and3A_355 = arith.andi %eq3A_352, %eq3A_354 : i1
    %convert_element_type3A_356 = arith.extui %and3A_355 : i1 to i32
    %cond3A = arith.constant 0 : i32
    %cond3A_357 = arith.cmpi ne, %convert_element_type3A_356, %cond3A : i32
    scf.if %cond3A_357 {
      %broadcast_in_dim3A_364 = arith.constant 0.000000e+00 : f32
      %broadcast_in_dim3A_365 = vector.broadcast %broadcast_in_dim3A_364 : f32 to vector<128x1024xf32>
      %swap3A_366 = arith.constant 0 : index
      %swap3A_367 = arith.constant 0 : index
      %swap3A_368 = vector.load %arg11[%swap3A_366, %swap3A_367] : memref<128x1024xf32, #tpu.memory_space<vmem>>, vector<128x1024xf32>
      tpu.vector_store %arg11[%swap3A_366, %swap3A_367], %broadcast_in_dim3A_365 {strides = array<i32>} : memref<128x1024xf32, #tpu.memory_space<vmem>>, vector<128x1024xf32>,
    } else {
    }
    %get3A_358 = arith.constant 0 : index
    %get3A_359 = arith.constant 0 : index
    %get3A_360 = vector.load %arg11[%get3A_358, %get3A_359] : memref<128x1024xf32, #tpu.memory_space<vmem>>, vector<128x1024xf32>
    %add3A_361 = arith.addf %get3A_360, %dot_general3A_350 : vector<128x1024xf32>
    %swap3A = arith.constant 0 : index
    %swap3A_362 = arith.constant 0 : index
    %swap3A_363 = vector.load %arg11[%swap3A, %swap3A_362] : memref<128x1024xf32, #tpu.memory_space<vmem>>, vector<128x1024xf32>
    tpu.vector_store %arg11[%swap3A, %swap3A_362], %add3A_361 {strides = array<i32>} : memref<128x1024xf32, #tpu.memory_space<vmem>>, vector<128x1024xf32>,
    return
  }
  func.func @transform_0(%arg0: i32, %arg1: i32) -> (i32, i32) {
    %c0_i32 = arith.constant 0 : i32
    %c0_i32_0 = arith.constant 0 : i32
    %c0_i32_1 = arith.constant 0 : i32
    return %c0_i32, %c0_i32_0 : i32, i32
  }
  func.func @transform_1(%arg0: i32, %arg1: i32) -> (i32, i32) {
    %c0_i32 = arith.constant 0 : i32
    %c0_i32_0 = arith.constant 0 : i32
    %c0_i32_1 = arith.constant 0 : i32
    return %c0_i32, %c0_i32_0 : i32, i32
  }
  func.func @transform_2(%arg0: i32, %arg1: i32) -> (i32, i32) {
    %c0_i32 = arith.constant 0 : i32
    %c0_i32_0 = arith.constant 0 : i32
    %c0_i32_1 = arith.constant 0 : i32
    return %c0_i32, %c0_i32_0 : i32, i32
  }
  func.func @transform_3(%arg0: i32, %arg1: i32) -> (i32, i32, i32) {
    %c0_i32 = arith.constant 0 : i32
    %c0_i32_0 = arith.constant 0 : i32
    return %arg0, %c0_i32, %arg1 : i32, i32, i32
  }
  func.func @transform_4(%arg0: i32, %arg1: i32) -> (i32, i32, i32) {
    %c0_i32 = arith.constant 0 : i32
    %c0_i32_0 = arith.constant 0 : i32
    return %arg0, %c0_i32, %arg1 : i32, i32, i32
  }
  func.func @transform_5(%arg0: i32, %arg1: i32) -> (i32, i32, i32) {
    %add3A = arith.constant 2 : i32
    %add3A_0 = arith.addi %arg1, %add3A : i32
    %c0_i32 = arith.constant 0 : i32
    %c0_i32_1 = arith.constant 0 : i32
    return %arg0, %c0_i32, %add3A_0 : i32, i32, i32
  }
  func.func @transform_6(%arg0: i32, %arg1: i32) -> (i32, i32, i32) {
    %add3A = arith.constant 2 : i32
    %add3A_0 = arith.addi %arg1, %add3A : i32
    %c0_i32 = arith.constant 0 : i32
    %c0_i32_1 = arith.constant 0 : i32
    return %arg0, %c0_i32, %add3A_0 : i32, i32, i32
  }
  func.func @transform_7(%arg0: i32, %arg1: i32) -> (i32, i32, i32) {
    %c0_i32 = arith.constant 0 : i32
    %c0_i32_0 = arith.constant 0 : i32
    return %arg0, %arg1, %c0_i32 : i32, i32, i32
  }
  func.func @transform_8(%arg0: i32, %arg1: i32) -> (i32, i32, i32, i32) {
    %c0_i32 = arith.constant 0 : i32
    %c0_i32_0 = arith.constant 0 : i32
    %c0_i32_1 = arith.constant 0 : i32
    return %arg0, %arg1, %c0_i32, %c0_i32_0 : i32, i32, i32, i32
  }
  func.func @transform_9(%arg0: i32, %arg1: i32) -> (i32, i32) {
    %c0_i32 = arith.constant 0 : i32
    %c0_i32_0 = arith.constant 0 : i32
    %c0_i32_1 = arith.constant 0 : i32
    return %c0_i32, %c0_i32_0 : i32, i32
  }
}

</mosaic_0001>

<sc_bundles>
// kernel: kernel.4.cloned.1.call-start
scs
__scs_entry_jumppad:
0x0: {  	(pc) =	sbr.rel $0x88, $3  }
0x1: {  	(tag) =	ssettag $0x0;
	lr =	simm.s32 $0x1  }
0x2: {  	[smem:$0x3F9A] =	sst lr;
	_ =	strace $0xD0000000  }
0x3: {  	_ = 	snop  }
0x4: {  	_ = 	snop  }
0x5: {  	_ = 	snop  }
0x6: {  	_ = 	snop  }
0x7: {  	_ = 	snop  }
__scs_overlays_trampoline_lowered:
0x8: {  	[smem:$0x3FA9] =	sst s0  }
0x9: {  	[smem:$0x3FAA] =	sst s1  }
0xa: {  	[smem:$0x3FAB] =	sst s2  }
0xb: {  	[smem:$0x3FAC] =	sst s3  }
0xc: {  	[smem:$0x3FAD] =	sst s4  }
0xd: {  	[smem:$0x3FAE] =	sst s5  }
0xe: {  	[smem:$0x3FAF] =	sst s6  }
0xf: {  	[smem:$0x3FB0] =	sst s7  }
0x10: {  	[smem:$0x3FB1] =	sst s8  }
0x11: {  	[smem:$0x3FB2] =	sst s9;
	s0 =	simm.s32 @!p0 $0x0  }
0x12: {  	s1 =	sld [smem:$0x3F98];
	s0 =	simm.s32 @p0 $0x1  }
0x13: {  	[smem:$0x3FB3] =	sst s0;
	s0 =	simm.s32 @!p1 $0x0  }
0x14: {  	s2 =	sld [smem:$0x3F97];
	s0 =	simm.s32 @p1 $0x1  }
0x15: {  	[smem:$0x3FB4] =	sst s0;
	s0 =	simm.s32 @!p2 $0x0  }
0x16: {  	s3 =	sld [smem:$0x3FDB];
	s0 =	simm.s32 @p2 $0x1  }
0x17: {  	s4 =	simm.s32 $0x1BF5;
	[smem:$0x3FB6] =	sst s0  }
0x18: {  	s0 =	sld [smem:$0x3F99];
	_ =	swait.ge [sflag:s4], $0x0  }
0x19: {  	s7 =	sld [smem:$0x3F9A]  }
0x1a: {  	s8 =	sadd.s32 $0xFFFFE003, lr  }
0x1b: {  	s9 =	sadd.s32 $0xFFFFFEF7, lr;
	s5 =	simm.s32 $0xFFFFFFFF;
	p2 =	slt.u32 s8, $0xFFFFF086  }
0x1c: {  	p1 =	slt.u32 s9, $0xF7A;
	s5 =	simm.s32 @!p2 $0x0  }
0x1d: {  	s5 =	simm.s32 @p1 $0x1;
	p0 =	seq.s32 s7, s2  }
0x1e: {  	s7 =	smul.u32 @!p0 $0xF7A, s2;
	p2 =	seq.s32 @!p0 s5, $0x0  }
0x1f: {  	s9 =	smul.u32 $0xF7A, s1;
	s8 =	simm.s32 @!p0 $0x1BF5;
	p2 =	por !p2, p0  }
0x20: {  	[sflag:s8] =	ssyncset.s32 @!p0 $0xFFFFF086;
	s6 =	sadd.s32 @!p0 s3, s7;
	s7 =	simm.s32 @!p0 $0x108  }
0x21: {  	s3 =	sadd.s32 s3, s9;
	s6 =	sadd.s32 @!p0 $0x88, s6;
	s7 =	simm.s32 @p2 $0x1082  }
0x22: {  	[simem:s7], [sflag:s8] =	dma.local @!p0 [hbm:s6], $0xF7A  }
0x23: {  	s9 =	sor.u32 $0xD0000000, s2;
	s6 =	simm.s32 $0x108;
	_ =	swait.ge @!p0 [sflag:s8], $0x0  }
0x24: {  	s3 =	sadd.s32 $0x88, s3;
	s6 =	simm.s32 @!p1 $0x1082;
	[sflag:s4] =	ssyncset.s32 $0xFFFFF086  }
0x25: {  	[simem:s6], [sflag:s4] =	dma.local [hbm:s3], $0xF7A  }
0x26: {  	[smem:$0x3F9A] =	sst s1;
	(tag) =	ssettag s2;
	_ =	strace s9  }
0x27: {  	s1 =	sld [smem:$0x3FAA]  }
0x28: {  	s2 =	sld [smem:$0x3FAB]  }
0x29: {  	s4 =	sld [smem:$0x3FAD]  }
0x2a: {  	p0 =	seq.s32 s5, $0x0;
	s5 =	sld [smem:$0x3FAE]  }
0x2b: {  	s6 =	sld [smem:$0x3FAF]  }
0x2c: {  	s7 =	sld [smem:$0x3FB0]  }
0x2d: {  	s3 =	simm.s32 $0x108;
	s8 =	sld [smem:$0x3FB1]  }
0x2e: {  	s3 =	simm.s32 @!p0 $0x1082;
	s9 =	sld [smem:$0x3FB2]  }
0x2f: {  	lr =	sadd.s32 s0, s3;
	s0 =	sld [smem:$0x3FA9]  }
0x30: {  	s3 =	sld [smem:$0x3FAC]  }
0x31: {  	[smem:$0x3FB5] =	sst s10  }
0x32: {  	s10 =	sld [smem:$0x3FB3];
	_ =	sdelay $0x3  }
0x33: {  	p0 =	seq.s32 s10, $0x1;
	s10 =	sld [smem:$0x3FB5];
	_ =	sdelay $0x3  }
0x34: {  	[smem:$0x3FB5] =	sst s10  }
0x35: {  	s10 =	sld [smem:$0x3FB4];
	_ =	sdelay $0x3  }
0x36: {  	p1 =	seq.s32 s10, $0x1;
	s10 =	sld [smem:$0x3FB5];
	_ =	sdelay $0x3  }
0x37: {  	[smem:$0x3FB5] =	sst s10  }
0x38: {  	s10 =	sld [smem:$0x3FB6]  }
0x39: {  	_ = 	snop;
	(pc) =	sbr.ind lr, $3  }
0x3a: {  	_ = 	snop  }
0x3b: {  	_ = 	snop  }
0x3c: {  	p2 =	seq.s32 s10, $0x1;
	s10 =	sld [smem:$0x3FB5]  }
0x3d: {  	_ =	shalt  }
0x3e: {  	_ =	shalt  }
0x3f: {  	_ =	shalt  }
0x40: {  	_ =	shalt  }
0x41: {  	_ =	shalt  }
0x42: {  	_ =	shalt  }
0x43: {  	_ =	shalt  }
0x44: {  	_ =	shalt  }
0x45: {  	_ =	shalt  }
0x46: {  	_ =	shalt  }
0x47: {  	_ =	shalt  }
0x48: {  	_ =	shalt  }
0x49: {  	_ =	shalt  }
0x4a: {  	_ =	shalt  }
0x4b: {  	_ =	shalt  }
0x4c: {  	_ =	shalt  }
0x4d: {  	_ =	shalt  }
0x4e: {  	_ =	shalt  }
0x4f: {  	_ =	shalt  }
0x50: {  	_ =	shalt  }
0x51: {  	_ =	shalt  }
0x52: {  	_ =	shalt  }
0x53: {  	_ =	shalt  }
0x54: {  	_ =	shalt  }
0x55: {  	_ =	shalt  }
0x56: {  	_ =	shalt  }
0x57: {  	_ =	shalt  }
0x58: {  	_ =	shalt  }
0x59: {  	_ =	shalt  }
0x5a: {  	_ =	shalt  }
0x5b: {  	_ =	shalt  }
0x5c: {  	_ =	shalt  }
0x5d: {  	_ =	shalt  }
0x5e: {  	_ =	shalt  }
0x5f: {  	_ =	shalt  }
0x60: {  	_ =	shalt  }
0x61: {  	_ =	shalt  }
0x62: {  	_ =	shalt  }
0x63: {  	_ =	shalt  }
0x64: {  	_ =	shalt  }
0x65: {  	_ =	shalt  }
0x66: {  	_ =	shalt  }
0x67: {  	_ =	shalt  }
0x68: {  	_ =	shalt  }
0x69: {  	_ =	shalt  }
0x6a: {  	_ =	shalt  }
0x6b: {  	_ =	shalt  }
0x6c: {  	_ =	shalt  }
0x6d: {  	_ =	shalt  }
0x6e: {  	_ =	shalt  }
0x6f: {  	_ =	shalt  }
0x70: {  	_ =	shalt  }
0x71: {  	_ =	shalt  }
0x72: {  	_ =	shalt  }
0x73: {  	_ =	shalt  }
0x74: {  	_ =	shalt  }
0x75: {  	_ =	shalt  }
0x76: {  	_ =	shalt  }
0x77: {  	_ =	shalt  }
0x78: {  	_ =	shalt  }
0x79: {  	_ =	shalt  }
0x7a: {  	_ =	shalt  }
0x7b: {  	_ =	shalt  }
0x7c: {  	_ =	shalt  }
0x7d: {  	_ =	shalt  }
0x7e: {  	_ =	shalt  }
0x7f: {  	_ =	shalt  }
0x80: {  	_ =	shalt  }
0x81: {  	_ =	shalt  }
0x82: {  	_ =	shalt  }
0x83: {  	_ =	shalt  }
0x84: {  	_ =	shalt  }
0x85: {  	_ =	shalt  }
0x86: {  	_ =	shalt  }
0x87: {  	_ =	shalt  }
.Lfunc_end0:
.L_simem_size_0:
called_computation_lowered:
.L_overlay_start_0:
0x88: {  	s2 =	sld [smem:$0x3FD9]  }
0x89: {  	s3 =	sld [smem:$0x3FFE];
	_ =	sdelay $0x1  }
0x8a: {  	s1 =	srdreg.scid  }
0x8b: {  	s0 =	sand.u32 $0x1, s1  }
0x8c: {  	s17 =	sshll.u32 s0, $0xA;
	s2 =	sadd.s32 s3, s2  }
0x8d: {  	s2 =	sadd.s32 s2, s17  }
0x8e: {  	[smem:$0x3FC1] =	sst s2  }
0x8f: {  	_ = 	snop  }
0x90: {  	s2 =	sld [smem:$0x3FD0];
	(tm) =	ssettm $0x1  }
0x91: {  	s18 =	sld [smem:$0x3FFB];
	_ =	sdelay $0x3  }
0x92: {  	_ =	strace s18  }
0x93: {  	s3 =	sld [smem:$0x3FFC];
	_ =	sdelay $0x3  }
0x94: {  	_ =	strace s3  }
0x95: {  	s3 =	sld [smem:$0x3FFD];
	_ =	sdelay $0x3  }
0x96: {  	_ =	strace s3  }
0x97: {  	_ =	strace $0x8FFFFFFF  }
0x98: {  	s19 =	sld [smem:$0x3FDB];
	_ =	sdelay $0x1  }
0x99: {  	s4 =	simm.s32 $_scs_section_size  }
0x9a: {  	s5 =	simm.s32 $_size__tile_overlayer_lowered;
	s6 =	simm.s32 $_tile_overlayer_lowered  }
0x9b: {  	s22 =	simm.s32 $0x1BFF;
	s21 =	sshll.u32 s6, $0x1;
	s3 =	sadd.s32 s4, s19  }
0x9c: {  	s7 =	simm.s32 $0x0;
	s20 =	sshll.u32 s5, $0x1;
	s5 =	sadd.s32 s21, s3  }
0x9d: {  	[timem:s7], [sflag:s22] =	dma.local [hbm:s5], s20  }
0x9e: {  	_ =	swait.ge [sflag:s22], s20  }
0x9f: {  	s4 =	ssub.s32 $0x0, s20;
	[sflag:s22] =	ssyncset.done $0x0  }
0xa0: {  	[sflag:s22] =	ssyncadd.s32 s4;
	_ =	sdelay $0x1  }
0xa1: {  	s23 =	simm.s32 $0x1B8B  }
0xa2: {  	_ =	swait.ge [sflag:s23], $0x1  }
0xa3: {  	[sflag:s23] =	ssyncset.done $0x0  }
0xa4: {  	s25 =	simm.s32 $0x1B8E;
	s24 =	sld [smem:$0x3FFE];
	[sflag:s23] =	ssyncadd.s32 $0xFFFFFFFF  }
0xa5: {  	s26 =	simm.s32 $execute0_lowered;
	[smem:$0x3FD2] =	sst s25  }
0xa6: {  	s5 =	sshll.u32 s26, $0x1;
	_ =	strace $0x80000046;
	[dreg:$0x1] =	wrdreg $0xFFFFFFFF  }
0xa7: {  	s28 =	simm.s32 $_size_execute0_lowered;
	s3 =	sadd.s32 s3, s5;
	[dreg:$0x0] =	wrdreg $0x0  }
0xa8: {  	s5 =	sshll.u32 s28, $0x1;
	[dreg:$0x2] =	wrdreg s3  }
0xa9: {  	[dreg:$0x3] =	wrdreg s5  }
0xaa: {  	[dreg:$0x4] =	wrdreg $0xC0  }
0xab: {  	_ =	task [dreg:s7], $0x5FFFF  }
0xac: {  	[dreg:$0x1] =	wrdreg $0xFFFFFFFF  }
0xad: {  	[dreg:$0x0] =	wrdreg $0x60  }
0xae: {  	[dreg:$0x2] =	wrdreg s24  }
0xaf: {  	[dreg:$0x3] =	wrdreg s2  }
0xb0: {  	[dreg:$0x4] =	wrdreg $0x9  }
0xb1: {  	_ =	task.clear_ibuf [dreg:s7], $0x5FFFF;
	_ =	strace $0x90000046  }
0xb2: {  	s29 =	simm.s32 $0x9;
	_ =	strace $0x80000048  }
0xb3: {  	_ =	swait.ge [sflag:s29], $0x1  }
0xb4: {  	[sflag:s29] =	ssyncadd.s32 $0xFFFFFFFF  }
0xb5: {  	_ =	strace $0x90000048  }
0xb6: {  	_ =	sfence  }
0xb7: {  	s30 =	sld [smem:$0x0];
	_ =	sdelay $0x2  }
0xb8: {  	s31 =	sshll.u32 s1, $0xD;
	s1 =	sshrl.u32 s1, $0x2  }
0xb9: {  	s3 =	sand.u32 $0x4000, s31;
	s1 =	sadd.s32 s1, s30  }
0xba: {  	s0 =	sor.u32 s3, s0;
	s1 =	sshll.u32 s1, $0x11  }
0xbb: {  	s0 =	sor.u32 s1, s0  }
0xbc: {  	s0 =	sadd.s32 $0x8F2B, s0  }
0xbd: {  	[sflag:s0] =	ssyncadd.remote.s32 $0x1  }
0xbe: {  	_ =	sfence.sel $0xFFFF  }
0xbf: {  	[dreg:$0x0] =	wrdreg $0xFFFFFFFF;
	(pc) =	sbr.abs _section_cstart, $3  }
0xc0: {  	[dreg:$0x1] =	wrdreg $0xFFFFFFFF  }
0xc1: {  	_ =	task.clear_ibuf [dreg:s7], $0x2FFFF;
	_ =	strace $0x9FFFFFFF  }
0xc2: {  	(tm) =	ssettm $0x7FFFFFFF  }
0xc3: {  	_ =	shalt  }
tec
execute0_lowered:
.L_overlay_start_1:
0x0: {  	(tag) =	ssettag $0x1  }
0x1: {  	s6 =	rddreg [dreg:$0x0]  }
0x2: {  	s13 =	rddreg [dreg:$0x1]  }
0x3: {  	s0 =	rddreg [dreg:$0x2];
	s1 =	simm.s32 $0x0  }
0x4: {  	[smem:$0x7FF] =	sst s1  }
0x5: {  	s2 =	simm.s32 $0x1;
	s3 =	sadd.s32 $0x1000, s6;
	_ =	strace $0x80000047  }
0x6: {  	[tilespmem:s1], [sflag:$0x1] =	stream.linear.gather [hbm4b:s3+s1], $0x80, $0x38;
	[tilespmem:$0x280] =	vst v63  }
0x7: {  	_ =	swait.ge [sflag:s2], $0x80  }
0x8: {  	[sflag:s2] =	ssyncset.done $0x0  }
0x9: {  	s5 =	simm.s32 $0x80;
	s4 =	sadd.s32 $0xE00, s6;
	[sflag:s2] =	ssyncadd.s32 $0xFFFFFF80  }
0xa: {  	[tilespmem:s5], [sflag:$0x1] =	stream.linear.gather [hbm4b:s4+s1], $0x80, $0x38;
	[tilespmem:$0x280] =	vst v63  }
0xb: {  	_ =	swait.ge [sflag:s2], $0x80  }
0xc: {  	[sflag:s2] =	ssyncset.done $0x0  }
0xd: {  	s8 =	simm.s32 $0x100;
	s7 =	sadd.s32 $0x1400, s6;
	[sflag:s2] =	ssyncadd.s32 $0xFFFFFF80  }
0xe: {  	[tilespmem:s8], [sflag:$0x1] =	stream.linear.gather [hbm4b:s7+s1], $0x80, $0x38;
	[tilespmem:$0x280] =	vst v63  }
0xf: {  	s10 =	srdreg.scid;
	s9 =	sadd.s32 $0x1200, s6;
	_ =	swait.ge [sflag:s2], $0x80  }
0x10: {  	s6 =	stileid.u32;
	s14 =	sand.u32 $0x1, s10;
	[sflag:s2] =	ssyncset.done $0x0  }
0x11: {  	s10 =	simm.s32 $0x180;
	s11 =	sshll.u32 s6, $0x1;
	[sflag:s2] =	ssyncadd.s32 $0xFFFFFF80  }
0x12: {  	[tilespmem:s10], [sflag:$0x1] =	stream.linear.gather [hbm4b:s9+s1], $0x80, $0x38;
	[tilespmem:$0x280] =	vst v63  }
0x13: {  	s15 =	sor.u32 s14, s11;
	_ =	swait.ge [sflag:s2], $0x80  }
0x14: {  	s11 =	sshll.u32 s15, $0x5;
	[sflag:s2] =	ssyncset.done $0x0  }
0x15: {  	s11 =	sand.u32 $0x60, s11;
	[sflag:s2] =	ssyncadd.s32 $0xFFFFFF80  }
0x16: {  	v1 =	vld [tilespmem:s11+$0x100]  }
0x17: {  	v2 =	vld [tilespmem:s11+$0x0]  }
0x18: {  	v3 =	vld [tilespmem:s11+$0x80]  }
0x19: {  	v4 =	vld [tilespmem:s11+$0x180];
	_ =	sdelay $0x1  }
0x1a: {  	s12 =	sshrl.u32 s6, $0x1  }
0x1b: {  	v0 =	vmov s12  }
0x1c: {  	vm0 =	veq.s32 v2, v0;
	vm1 =	veq.s32 v3, v0  }
0x1d: {  	v1 =	vnsel vm0, $0x0, v1;
	v2 =	vnsel vm1, $0x0, v4  }
0x1e: {  	v1 =	vadd.f32 v2, v1;
	_ =	sdelay $0x1  }
0x1f: {  	s12 =	sor.u32 $0x10, s11;
	[tilespmem:$0x200] =	vst v1  }
0x20: {  	s14 =	ssub.s32 $0x2, s14;
	v1 =	vld [tilespmem:s12+$0x180]  }
0x21: {  	s16 =	sshrl.u32 s14, $0x1;
	v2 =	vld [tilespmem:s12+$0x80]  }
0x22: {  	s14 =	ssub.s32 s14, s16;
	v3 =	vld [tilespmem:s12+$0x0]  }
0x23: {  	s16 =	smax.u32 s14, $0x1;
	v63 =	vld [tilespmem:s12+$0x100]  }
0x24: {  	p0 =	sne.s32 s16, $0x1  }
.Ltmp0:
0x25: {  	_ = 	snop;
	(pc) =	sbr.rel @!p0 .LBB2_2-.Ltmp0, $4  }
0x26: {  	_ = 	snop  }
0x27: {  	vm14 =	veq.s32 v2, v0;
	vm15 =	veq.s32 v3, v0  }
0x28: {  	s31 =	sshll.u32 s15, $0x2;
	v1 =	vnsel vm14, $0x0, v1;
	v2 =	vnsel vm15, $0x0, v63  }
0x29: {  	s13 =	sadd.s32 s13, s31;
	s14 =	simm.s32 $0x200;
	s15 =	sadd.s32 $0xFFFFFFFF, s16;
	v1 =	vadd.f32 v1, v2  }
.LBB2_1:
0x2a: {  	p0 =	sne.s32 s15, $0x1;
	s15 =	sadd.s32 $0xFFFFFFFF, s15  }
0x2b: {  	[tilespmem:$0x210] =	vst v1  }
0x2c: {  	[hbm4b:s13+s1] =	stream.linear.scatter [tilespmem:s14], [sflag:$0x1], $0x20, $0x38;
	[tilespmem:$0x280] =	vst v63  }
0x2d: {  	_ =	swait.ge [sflag:s2], $0x20  }
0x2e: {  	[sflag:s2] =	ssyncset.done $0x0  }
0x2f: {  	[sflag:s2] =	ssyncadd.s32 $0xFFFFFFE0  }
0x30: {  	[tilespmem:s1], [sflag:$0x1] =	stream.linear.gather [hbm4b:s3+s1], $0x80, $0x38;
	[tilespmem:$0x280] =	vst v63  }
0x31: {  	_ =	swait.ge [sflag:s2], $0x80  }
0x32: {  	[sflag:s2] =	ssyncset.done $0x0  }
0x33: {  	[sflag:s2] =	ssyncadd.s32 $0xFFFFFF80  }
0x34: {  	[tilespmem:s5], [sflag:$0x1] =	stream.linear.gather [hbm4b:s4+s1], $0x80, $0x38;
	[tilespmem:$0x280] =	vst v63  }
0x35: {  	_ =	swait.ge [sflag:s2], $0x80  }
0x36: {  	[sflag:s2] =	ssyncset.done $0x0  }
0x37: {  	[sflag:s2] =	ssyncadd.s32 $0xFFFFFF80  }
0x38: {  	[tilespmem:s8], [sflag:$0x1] =	stream.linear.gather [hbm4b:s7+s1], $0x80, $0x38;
	[tilespmem:$0x280] =	vst v63  }
0x39: {  	_ =	swait.ge [sflag:s2], $0x80  }
0x3a: {  	[sflag:s2] =	ssyncset.done $0x0  }
0x3b: {  	[sflag:s2] =	ssyncadd.s32 $0xFFFFFF80  }
0x3c: {  	[tilespmem:s10], [sflag:$0x1] =	stream.linear.gather [hbm4b:s9+s1], $0x80, $0x38;
	[tilespmem:$0x280] =	vst v63  }
0x3d: {  	_ =	swait.ge [sflag:s2], $0x80  }
0x3e: {  	[sflag:s2] =	ssyncset.done $0x0  }
0x3f: {  	[sflag:s2] =	ssyncadd.s32 $0xFFFFFF80  }
0x40: {  	v1 =	vld [tilespmem:s11+$0x100]  }
0x41: {  	v2 =	vld [tilespmem:s11+$0x0]  }
0x42: {  	v3 =	vld [tilespmem:s11+$0x80]  }
0x43: {  	v4 =	vld [tilespmem:s11+$0x180];
	_ =	sdelay $0x2  }
0x44: {  	vm0 =	veq.s32 v2, v0  }
0x45: {  	v1 =	vnsel vm0, $0x0, v1;
	vm0 =	veq.s32 v3, v0  }
0x46: {  	v2 =	vnsel vm0, $0x0, v4  }
0x47: {  	v1 =	vadd.f32 v2, v1;
	_ =	sdelay $0x1  }
0x48: {  	[tilespmem:$0x200] =	vst v1  }
0x49: {  	v1 =	vld [tilespmem:s12+$0x180]  }
0x4a: {  	v2 =	vld [tilespmem:s12+$0x80]  }
0x4b: {  	v3 =	vld [tilespmem:s12+$0x0]  }
0x4c: {  	v4 =	vld [tilespmem:s12+$0x100];
	_ =	sdelay $0x1  }
.Ltmp1:
0x4d: {  	(pc) =	sbr.rel @p0 .LBB2_1-.Ltmp1, $4  }
0x4e: {  	vm0 =	veq.s32 v2, v0  }
0x4f: {  	vm1 =	veq.s32 v3, v0;
	v1 =	vnsel vm0, $0x0, v1  }
0x50: {  	v2 =	vnsel vm1, $0x0, v4  }
0x51: {  	v1 =	vadd.f32 v1, v2  }
.LBB2_2:
0x52: {  	_ = 	snop  }
0x53: {  	[tilespmem:$0x210] =	vst v1  }
0x54: {  	[hbm4b:s13+s1] =	stream.linear.scatter [tilespmem:s14], [sflag:$0x1], $0x20, $0x38;
	[tilespmem:$0x280] =	vst v63  }
0x55: {  	_ =	swait.ge [sflag:s2], $0x20  }
0x56: {  	[sflag:s2] =	ssyncset.done $0x0  }
0x57: {  	[sflag:s2] =	ssyncadd.s32 $0xFFFFFFE0  }
0x58: {  	_ =	sfence.sel $0x180000  }
0x59: {  	[bflag:$0x0] =	sbarrier.arrive $0xFFFF  }
0x5a: {  	p0 =	sne.s32 s6, $0x0;
	_ =	strace $0x90000047  }
0x5b: {  	s0 =	sadd.s32 @!p0 $0x100000, s0;
	[bflag:$0x2] =	sbarrier.arrive $0xFFFF  }
0x5c: {  	[sflag:s0] =	ssyncadd.tile.s32 @!p0 $0x1;
	_ =	shalt  }
.Lfunc_end2:
_tile_overlayer_lowered:
.L_overlay_start_2:
0x5d: {  	(tag) =	ssettag $0x2  }
0x5e: {  	s0 =	rddreg [dreg:$0x0];
	s2 =	stileid.u32  }
0x5f: {  	s1 =	rddreg [dreg:$0x1];
	p0 =	sne.s32 s2, $0x0  }
0x60: {  	s3 =	rddreg [dreg:$0x2];
	[bflag:$0x3] =	sbarrier.arrive $0xFFFF;
	s2 =	simm.s32 @!p0 $0x1C01  }
0x61: {  	[timem:s3], [sflag:s2] =	dma.local @!p0 [hbm:s0], s1  }
0x62: {  	s0 =	simm.s32 @!p0 $0x1  }
0x63: {  	_ =	swait.ge @!p0 [sflag:s0], s1  }
0x64: {  	s1 =	ssub.s32 @!p0 $0x0, s1;
	[sflag:s0] =	ssyncset.done @!p0 $0x0  }
0x65: {  	[sflag:s0] =	ssyncadd.s32 @!p0 s1  }
0x66: {  	[bflag:$0x3] =	sbarrier.arrive $0xFFFF  }
0x67: {  	_ =	shalt  }

</sc_bundles>
